<compile_context>
chip_gen: v7x
topology: tpu7x:2x2x1
jax: 0.10.2.dev20260603
libtpu: 0.0.44.dev20260713+nightly
codegen_flags: <defaults>
</compile_context>

<pallas_src>
import functools

import jax
import jax.numpy as jnp
from jax import lax
from jax.experimental import pallas as pl
from jax.experimental.pallas import tpu as pltpu
from jax.experimental.pallas import tpu_sc as plsc

B = 16384
D_MF = 8
D_MLP = 32
N_ROWS = 1_000_000
G_MF = 128 // D_MF
G_MLP = 128 // D_MLP
NC = 2
NS = 16
NW = NC * NS
BPW = B // NW

BLK = 2048
GRID = B // BLK

_sc_mesh = plsc.VectorSubcoreMesh(core_axis_name="c", subcore_axis_name="s")


@functools.partial(
    pl.kernel,
    mesh=_sc_mesh,
    out_type=[
        jax.ShapeDtypeStruct((B, 128), jnp.float32),
        jax.ShapeDtypeStruct((B, 128), jnp.float32),
        jax.ShapeDtypeStruct((B, 128), jnp.float32),
        jax.ShapeDtypeStruct((B, 128), jnp.float32),
    ],
    scratch_types=[
        pltpu.VMEM((BPW,), jnp.int32),
        pltpu.VMEM((BPW, 128), jnp.float32),
        pltpu.SemaphoreType.DMA,
    ],
)
def _sc_gather(gumf_hbm, gimf_hbm, gumlp_hbm, gimlp_hbm,
               umf_hbm, imf_hbm, umlp_hbm, imlp_hbm,
               umf_out, imf_out, umlp_out, imlp_out,
               idx_v, buf_v, sem):
    wid = lax.axis_index("s") * NC + lax.axis_index("c")
    base = wid * BPW
    for g_hbm, tbl_hbm, out_hbm in (
        (gumf_hbm, umf_hbm, umf_out),
        (gimf_hbm, imf_hbm, imf_out),
        (gumlp_hbm, umlp_hbm, umlp_out),
        (gimlp_hbm, imlp_hbm, imlp_out),
    ):
        pltpu.sync_copy(g_hbm.at[pl.ds(base, BPW)], idx_v)
        pltpu.async_copy(tbl_hbm.at[idx_v], buf_v, sem).wait()
        pltpu.sync_copy(buf_v, out_hbm.at[pl.ds(base, BPW)])


def _roll_left(x, s):
    return jnp.concatenate([x[:, s:], x[:, :s]], axis=1)


def _extract(x, off, width):
    s = width
    while s < 128:
        x = jnp.where((off & s) != 0, _roll_left(x, s), x)
        s *= 2
    return x[:, :width]


def _tc_mlp_body(gumf, gimf, gumlp, gimlp, o_mf_u, o_mf_i, o_mlp_u, o_mlp_i,
                 w1a, w1b, b1, w2, b2, wo_mf, wo_h, bo, out):
    ue_mf = _extract(gumf[...], o_mf_u[...], D_MF)
    ie_mf = _extract(gimf[...], o_mf_i[...], D_MF)
    ue_mlp = _extract(gumlp[...], o_mlp_u[...], D_MLP)
    ie_mlp = _extract(gimlp[...], o_mlp_i[...], D_MLP)
    h = jnp.dot(ue_mlp, w1a[...], preferred_element_type=jnp.float32)
    h = h + jnp.dot(ie_mlp, w1b[...], preferred_element_type=jnp.float32)
    h = jnp.maximum(h + b1[...], 0.0)
    h = jnp.dot(h, w2[...], preferred_element_type=jnp.float32) + b2[...]
    h = jnp.maximum(h, 0.0)
    mf = ue_mf * ie_mf
    o = jnp.dot(mf, wo_mf[...], preferred_element_type=jnp.float32)
    o = o + jnp.dot(h, wo_h[...], preferred_element_type=jnp.float32)
    out[...] = o + bo[...]


def _tc_mlp(gumf, gimf, gumlp, gimlp, o_mf_u, o_mf_i, o_mlp_u, o_mlp_i,
            W1, b1, W2, b2, Wo, bo):
    w1a = W1[:D_MLP]
    w1b = W1[D_MLP:]
    wo_mf = Wo[:D_MF]
    wo_h = Wo[D_MF:]
    blk = lambda i: (i, 0)
    full = lambda i: (0, 0)
    return pl.pallas_call(
        _tc_mlp_body,
        grid=(GRID,),
        in_specs=[
            pl.BlockSpec((BLK, 128), blk),
            pl.BlockSpec((BLK, 128), blk),
            pl.BlockSpec((BLK, 128), blk),
            pl.BlockSpec((BLK, 128), blk),
            pl.BlockSpec((BLK, 1), blk),
            pl.BlockSpec((BLK, 1), blk),
            pl.BlockSpec((BLK, 1), blk),
            pl.BlockSpec((BLK, 1), blk),
            pl.BlockSpec(w1a.shape, full),
            pl.BlockSpec(w1b.shape, full),
            pl.BlockSpec((1, D_MLP), full),
            pl.BlockSpec(W2.shape, full),
            pl.BlockSpec((1, 16), full),
            pl.BlockSpec(wo_mf.shape, full),
            pl.BlockSpec(wo_h.shape, full),
            pl.BlockSpec((1, 1), full),
        ],
        out_specs=pl.BlockSpec((BLK, 1), blk),
        out_shape=jax.ShapeDtypeStruct((B, 1), jnp.float32),
    )(gumf, gimf, gumlp, gimlp, o_mf_u, o_mf_i, o_mlp_u, o_mlp_i,
      w1a, w1b, b1.reshape(1, -1), W2, b2.reshape(1, -1),
      wo_mf, wo_h, bo.reshape(1, 1))


def kernel(user_ids, item_ids, user_mf, item_mf, user_mlp, item_mlp,
           W1, b1, W2, b2, Wo, bo):
    uid = user_ids.astype(jnp.int32)
    iid = item_ids.astype(jnp.int32)
    g_umf = uid >> 4
    g_imf = iid >> 4
    g_umlp = uid >> 2
    g_imlp = iid >> 2
    umf128 = user_mf.reshape(N_ROWS // G_MF, 128)
    imf128 = item_mf.reshape(N_ROWS // G_MF, 128)
    umlp128 = user_mlp.reshape(N_ROWS // G_MLP, 128)
    imlp128 = item_mlp.reshape(N_ROWS // G_MLP, 128)
    gumf, gimf, gumlp, gimlp = _sc_gather(
        g_umf, g_imf, g_umlp, g_imlp, umf128, imf128, umlp128, imlp128)
    o_mf_u = ((uid & (G_MF - 1)) << 3).reshape(B, 1)
    o_mf_i = ((iid & (G_MF - 1)) << 3).reshape(B, 1)
    o_mlp_u = ((uid & (G_MLP - 1)) << 5).reshape(B, 1)
    o_mlp_i = ((iid & (G_MLP - 1)) << 5).reshape(B, 1)
    out = _tc_mlp(gumf, gimf, gumlp, gimlp, o_mf_u, o_mf_i, o_mlp_u, o_mlp_i,
                  W1, b1, W2, b2, Wo, bo)
    return out[:, 0]

# --- scband reference (transcript-rebuilt; emitter-appended) ---
"""Pipeline reference for scband-ncf-88252987998525 (READ-ONLY COPY).

The authoritative reference and input builder live on the scoring server;
editing this copy changes nothing except your own understanding.
"""

import jax, jax.numpy as jnp
import numpy as np

NUM_USERS = 1000000
NUM_ITEMS = 1000000
MF_DIM = 8
MLP_LAYERS = [64, 32, 16]
BATCH = 16384


def setup_inputs(seed: int = 0) -> dict:
    key = jax.random.key(seed)
    ks = jax.random.split(key, 12)
    user_ids = jax.random.randint(ks[0], (BATCH,), 0, NUM_USERS, dtype=jnp.int64 if jax.config.jax_enable_x64 else jnp.int32)
    item_ids = jax.random.randint(ks[1], (BATCH,), 0, NUM_ITEMS, dtype=jnp.int64 if jax.config.jax_enable_x64 else jnp.int32)
    half = MLP_LAYERS[0] // 2
    user_mf = jax.random.normal(ks[2], (NUM_USERS, MF_DIM), dtype=jnp.float32) * 0.01
    item_mf = jax.random.normal(ks[3], (NUM_ITEMS, MF_DIM), dtype=jnp.float32) * 0.01
    user_mlp = jax.random.normal(ks[4], (NUM_USERS, half), dtype=jnp.float32) * 0.01
    item_mlp = jax.random.normal(ks[5], (NUM_ITEMS, half), dtype=jnp.float32) * 0.01
    W1 = jax.random.normal(ks[6], (MLP_LAYERS[0], MLP_LAYERS[1]), dtype=jnp.float32) * (1.0 / np.sqrt(MLP_LAYERS[0]))
    b1 = jnp.zeros((MLP_LAYERS[1],), dtype=jnp.float32)
    W2 = jax.random.normal(ks[7], (MLP_LAYERS[1], MLP_LAYERS[2]), dtype=jnp.float32) * (1.0 / np.sqrt(MLP_LAYERS[1]))
    b2 = jnp.zeros((MLP_LAYERS[2],), dtype=jnp.float32)
    Wo = jax.random.normal(ks[8], (MF_DIM + MLP_LAYERS[2], 1), dtype=jnp.float32) * (1.0 / np.sqrt(MF_DIM + MLP_LAYERS[2]))
    bo = jnp.zeros((1,), dtype=jnp.float32)
    return {
        "user_ids": user_ids, "item_ids": item_ids,
        "user_mf": user_mf, "item_mf": item_mf,
        "user_mlp": user_mlp, "item_mlp": item_mlp,
        "W1": W1, "b1": b1, "W2": W2, "b2": b2, "Wo": Wo, "bo": bo,
    }


def reference(user_ids, item_ids, user_mf, item_mf, user_mlp, item_mlp, W1, b1, W2, b2, Wo, bo):
    # GMF branch: embedding gathers + elementwise product
    ue_mf = jnp.take(user_mf, user_ids, axis=0)
    ie_mf = jnp.take(item_mf, item_ids, axis=0)
    mf_output = ue_mf * ie_mf
    # MLP branch: embedding gathers + concat + small MLP (dropout is identity in eval mode)
    ue_mlp = jnp.take(user_mlp, user_ids, axis=0)
    ie_mlp = jnp.take(item_mlp, item_ids, axis=0)
    h = jnp.concatenate([ue_mlp, ie_mlp], axis=1)
    h = jax.nn.relu(h @ W1 + b1)
    h = jax.nn.relu(h @ W2 + b2)
    concat_output = jnp.concatenate([mf_output, h], axis=1)
    output = concat_output @ Wo + bo
    return jnp.squeeze(output, axis=-1)

if __name__ == "__main__":
    import jax
    _d = setup_inputs()
    print(jax.jit(kernel)(*tuple(_d.values())))

</pallas_src>

<mosaic_0001>
#map = affine_map<(d0, d1) -> (0)>
#map1 = affine_map<(d0, d1) -> (0, 0)>
module attributes {stable_mosaic.version = 14 : i64} {
  func.func @_sc_gather(%arg0: i32, %arg1: i32, %arg2: memref<16384xi32, #tpu.memory_space<hbm>>, %arg3: memref<16384xi32, #tpu.memory_space<hbm>>, %arg4: memref<16384xi32, #tpu.memory_space<hbm>>, %arg5: memref<16384xi32, #tpu.memory_space<hbm>>, %arg6: memref<62500x128xf32, #tpu.memory_space<hbm>>, %arg7: memref<62500x128xf32, #tpu.memory_space<hbm>>, %arg8: memref<250000x128xf32, #tpu.memory_space<hbm>>, %arg9: memref<250000x128xf32, #tpu.memory_space<hbm>>, %arg10: memref<16384x128xf32, #tpu.memory_space<hbm>>, %arg11: memref<16384x128xf32, #tpu.memory_space<hbm>>, %arg12: memref<16384x128xf32, #tpu.memory_space<hbm>>, %arg13: memref<16384x128xf32, #tpu.memory_space<hbm>>, %arg14: memref<512xi32, #tpu.memory_space<vmem>>, %arg15: memref<512x128xf32, #tpu.memory_space<vmem>>, %arg16: memref<!tpu.dma_semaphore, #tpu.memory_space<semaphore_mem>>) attributes {dimension_semantics = [#tpu.dimension_semantics<core_parallel>, #tpu.dimension_semantics<subcore_parallel>], iteration_bounds = array<i64: 2, 16>, scalar_prefetch = 0 : i64, scratch_operands = 3 : i64, tpu.core_type = #tpu.core_type<sc_vector_subcore>, window_params = [{transform_indices = #map}, {transform_indices = #map}, {transform_indices = #map}, {transform_indices = #map}, {transform_indices = #map1}, {transform_indices = #map1}, {transform_indices = #map1}, {transform_indices = #map1}, {transform_indices = #map1}, {transform_indices = #map1}, {transform_indices = #map1}, {transform_indices = #map1}]} {
    %mul3A = arith.constant 2 : i32
    %mul3A_0 = arith.muli %arg1, %mul3A : i32
    %add3A = arith.addi %mul3A_0, %arg0 : i32
    %mul3A_1 = arith.constant 512 : i32
    %mul3A_2 = arith.muli %add3A, %mul3A_1 : i32
    "tpu.region"() ({
      %run_scoped3A = tpu.sem_alloc : memref<!tpu.dma_semaphore, #tpu.memory_space<semaphore_mem>>
      %dma_start3A_25 = tpu.memref_slice %arg2[%mul3A_2] : memref<16384xi32, #tpu.memory_space<hbm>> -> memref<512xi32, #tpu.memory_space<hbm>>
      %dma_start3A_26 = tpu.memref_slice %arg2[%mul3A_2] : memref<16384xi32, #tpu.memory_space<hbm>> -> memref<512xi32, #tpu.memory_space<hbm>>
      tpu.enqueue_dma source(%dma_start3A_26 : memref<512xi32, #tpu.memory_space<hbm>>) target(%arg14 : memref<512xi32, #tpu.memory_space<vmem>>) target_semaphore(%run_scoped3A : memref<!tpu.dma_semaphore, #tpu.memory_space<semaphore_mem>>)
      %dma_wait3A_27 = tpu.memref_slice %arg2[%mul3A_2] : memref<16384xi32, #tpu.memory_space<hbm>> -> memref<512xi32, #tpu.memory_space<hbm>>
      %dma_wait3A_28 = tpu.memref_slice %arg2[%mul3A_2] : memref<16384xi32, #tpu.memory_space<hbm>> -> memref<512xi32, #tpu.memory_space<hbm>>
      tpu.wait_dma2 semaphore(%run_scoped3A : memref<!tpu.dma_semaphore, #tpu.memory_space<semaphore_mem>>) src(%dma_wait3A_28 : memref<512xi32, #tpu.memory_space<hbm>>) dst(%arg14 : memref<512xi32, #tpu.memory_space<vmem>>)
      tpu.yield
    }) : () -> ()
    %dma_start3A = arith.constant 0 : i32
    %dma_start3A_3 = arith.constant 0 : i32
    %dma_start3A_4 = tpu.memref_slice %arg6[%dma_start3A, %dma_start3A_3] : memref<62500x128xf32, #tpu.memory_space<hbm>> -> memref<62500x128xf32, #tpu.memory_space<hbm>>
    tpu.enqueue_indirect_dma source(%dma_start3A_4 : memref<62500x128xf32, #tpu.memory_space<hbm>>) target(%arg15 : memref<512x128xf32, #tpu.memory_space<vmem>>) offsets(%arg14 : memref<512xi32, #tpu.memory_space<vmem>>) semaphore(%arg16 : memref<!tpu.dma_semaphore, #tpu.memory_space<semaphore_mem>>)
    %dma_wait3A = arith.constant 0 : i32
    %dma_wait3A_5 = arith.constant 0 : i32
    %dma_wait3A_6 = tpu.memref_slice %arg6[%dma_wait3A, %dma_wait3A_5] : memref<62500x128xf32, #tpu.memory_space<hbm>> -> memref<62500x128xf32, #tpu.memory_space<hbm>>
    tpu.wait_indirect_dma semaphore(%arg16 : memref<!tpu.dma_semaphore, #tpu.memory_space<semaphore_mem>>) src(%dma_wait3A_6 : memref<62500x128xf32, #tpu.memory_space<hbm>>) dst(%arg15 : memref<512x128xf32, #tpu.memory_space<vmem>>)
    "tpu.region"() ({
      %run_scoped3A = tpu.sem_alloc : memref<!tpu.dma_semaphore, #tpu.memory_space<semaphore_mem>>
      %dma_start3A_25 = arith.constant 0 : i32
      %dma_start3A_26 = tpu.memref_slice %arg10[%mul3A_2, %dma_start3A_25] : memref<16384x128xf32, #tpu.memory_space<hbm>> -> memref<512x128xf32, #tpu.memory_space<hbm>>
      %dma_start3A_27 = arith.constant 0 : i32
      %dma_start3A_28 = tpu.memref_slice %arg10[%mul3A_2, %dma_start3A_27] : memref<16384x128xf32, #tpu.memory_space<hbm>> -> memref<512x128xf32, #tpu.memory_space<hbm>>
      tpu.enqueue_dma source(%arg15 : memref<512x128xf32, #tpu.memory_space<vmem>>) target(%dma_start3A_28 : memref<512x128xf32, #tpu.memory_space<hbm>>) target_semaphore(%run_scoped3A : memref<!tpu.dma_semaphore, #tpu.memory_space<semaphore_mem>>)
      %dma_wait3A_29 = arith.constant 0 : i32
      %dma_wait3A_30 = tpu.memref_slice %arg10[%mul3A_2, %dma_wait3A_29] : memref<16384x128xf32, #tpu.memory_space<hbm>> -> memref<512x128xf32, #tpu.memory_space<hbm>>
      %dma_wait3A_31 = arith.constant 0 : i32
      %dma_wait3A_32 = tpu.memref_slice %arg10[%mul3A_2, %dma_wait3A_31] : memref<16384x128xf32, #tpu.memory_space<hbm>> -> memref<512x128xf32, #tpu.memory_space<hbm>>
      tpu.wait_dma2 semaphore(%run_scoped3A : memref<!tpu.dma_semaphore, #tpu.memory_space<semaphore_mem>>) src(%arg15 : memref<512x128xf32, #tpu.memory_space<vmem>>) dst(%dma_wait3A_32 : memref<512x128xf32, #tpu.memory_space<hbm>>)
      tpu.yield
    }) : () -> ()
    "tpu.region"() ({
      %run_scoped3A = tpu.sem_alloc : memref<!tpu.dma_semaphore, #tpu.memory_space<semaphore_mem>>
      %dma_start3A_25 = tpu.memref_slice %arg3[%mul3A_2] : memref<16384xi32, #tpu.memory_space<hbm>> -> memref<512xi32, #tpu.memory_space<hbm>>
      %dma_start3A_26 = tpu.memref_slice %arg3[%mul3A_2] : memref<16384xi32, #tpu.memory_space<hbm>> -> memref<512xi32, #tpu.memory_space<hbm>>
      tpu.enqueue_dma source(%dma_start3A_26 : memref<512xi32, #tpu.memory_space<hbm>>) target(%arg14 : memref<512xi32, #tpu.memory_space<vmem>>) target_semaphore(%run_scoped3A : memref<!tpu.dma_semaphore, #tpu.memory_space<semaphore_mem>>)
      %dma_wait3A_27 = tpu.memref_slice %arg3[%mul3A_2] : memref<16384xi32, #tpu.memory_space<hbm>> -> memref<512xi32, #tpu.memory_space<hbm>>
      %dma_wait3A_28 = tpu.memref_slice %arg3[%mul3A_2] : memref<16384xi32, #tpu.memory_space<hbm>> -> memref<512xi32, #tpu.memory_space<hbm>>
      tpu.wait_dma2 semaphore(%run_scoped3A : memref<!tpu.dma_semaphore, #tpu.memory_space<semaphore_mem>>) src(%dma_wait3A_28 : memref<512xi32, #tpu.memory_space<hbm>>) dst(%arg14 : memref<512xi32, #tpu.memory_space<vmem>>)
      tpu.yield
    }) : () -> ()
    %dma_start3A_7 = arith.constant 0 : i32
    %dma_start3A_8 = arith.constant 0 : i32
    %dma_start3A_9 = tpu.memref_slice %arg7[%dma_start3A_7, %dma_start3A_8] : memref<62500x128xf32, #tpu.memory_space<hbm>> -> memref<62500x128xf32, #tpu.memory_space<hbm>>
    tpu.enqueue_indirect_dma source(%dma_start3A_9 : memref<62500x128xf32, #tpu.memory_space<hbm>>) target(%arg15 : memref<512x128xf32, #tpu.memory_space<vmem>>) offsets(%arg14 : memref<512xi32, #tpu.memory_space<vmem>>) semaphore(%arg16 : memref<!tpu.dma_semaphore, #tpu.memory_space<semaphore_mem>>)
    %dma_wait3A_10 = arith.constant 0 : i32
    %dma_wait3A_11 = arith.constant 0 : i32
    %dma_wait3A_12 = tpu.memref_slice %arg7[%dma_wait3A_10, %dma_wait3A_11] : memref<62500x128xf32, #tpu.memory_space<hbm>> -> memref<62500x128xf32, #tpu.memory_space<hbm>>
    tpu.wait_indirect_dma semaphore(%arg16 : memref<!tpu.dma_semaphore, #tpu.memory_space<semaphore_mem>>) src(%dma_wait3A_12 : memref<62500x128xf32, #tpu.memory_space<hbm>>) dst(%arg15 : memref<512x128xf32, #tpu.memory_space<vmem>>)
    "tpu.region"() ({
      %run_scoped3A = tpu.sem_alloc : memref<!tpu.dma_semaphore, #tpu.memory_space<semaphore_mem>>
      %dma_start3A_25 = arith.constant 0 : i32
      %dma_start3A_26 = tpu.memref_slice %arg11[%mul3A_2, %dma_start3A_25] : memref<16384x128xf32, #tpu.memory_space<hbm>> -> memref<512x128xf32, #tpu.memory_space<hbm>>
      %dma_start3A_27 = arith.constant 0 : i32
      %dma_start3A_28 = tpu.memref_slice %arg11[%mul3A_2, %dma_start3A_27] : memref<16384x128xf32, #tpu.memory_space<hbm>> -> memref<512x128xf32, #tpu.memory_space<hbm>>
      tpu.enqueue_dma source(%arg15 : memref<512x128xf32, #tpu.memory_space<vmem>>) target(%dma_start3A_28 : memref<512x128xf32, #tpu.memory_space<hbm>>) target_semaphore(%run_scoped3A : memref<!tpu.dma_semaphore, #tpu.memory_space<semaphore_mem>>)
      %dma_wait3A_29 = arith.constant 0 : i32
      %dma_wait3A_30 = tpu.memref_slice %arg11[%mul3A_2, %dma_wait3A_29] : memref<16384x128xf32, #tpu.memory_space<hbm>> -> memref<512x128xf32, #tpu.memory_space<hbm>>
      %dma_wait3A_31 = arith.constant 0 : i32
      %dma_wait3A_32 = tpu.memref_slice %arg11[%mul3A_2, %dma_wait3A_31] : memref<16384x128xf32, #tpu.memory_space<hbm>> -> memref<512x128xf32, #tpu.memory_space<hbm>>
      tpu.wait_dma2 semaphore(%run_scoped3A : memref<!tpu.dma_semaphore, #tpu.memory_space<semaphore_mem>>) src(%arg15 : memref<512x128xf32, #tpu.memory_space<vmem>>) dst(%dma_wait3A_32 : memref<512x128xf32, #tpu.memory_space<hbm>>)
      tpu.yield
    }) : () -> ()
    "tpu.region"() ({
      %run_scoped3A = tpu.sem_alloc : memref<!tpu.dma_semaphore, #tpu.memory_space<semaphore_mem>>
      %dma_start3A_25 = tpu.memref_slice %arg4[%mul3A_2] : memref<16384xi32, #tpu.memory_space<hbm>> -> memref<512xi32, #tpu.memory_space<hbm>>
      %dma_start3A_26 = tpu.memref_slice %arg4[%mul3A_2] : memref<16384xi32, #tpu.memory_space<hbm>> -> memref<512xi32, #tpu.memory_space<hbm>>
      tpu.enqueue_dma source(%dma_start3A_26 : memref<512xi32, #tpu.memory_space<hbm>>) target(%arg14 : memref<512xi32, #tpu.memory_space<vmem>>) target_semaphore(%run_scoped3A : memref<!tpu.dma_semaphore, #tpu.memory_space<semaphore_mem>>)
      %dma_wait3A_27 = tpu.memref_slice %arg4[%mul3A_2] : memref<16384xi32, #tpu.memory_space<hbm>> -> memref<512xi32, #tpu.memory_space<hbm>>
      %dma_wait3A_28 = tpu.memref_slice %arg4[%mul3A_2] : memref<16384xi32, #tpu.memory_space<hbm>> -> memref<512xi32, #tpu.memory_space<hbm>>
      tpu.wait_dma2 semaphore(%run_scoped3A : memref<!tpu.dma_semaphore, #tpu.memory_space<semaphore_mem>>) src(%dma_wait3A_28 : memref<512xi32, #tpu.memory_space<hbm>>) dst(%arg14 : memref<512xi32, #tpu.memory_space<vmem>>)
      tpu.yield
    }) : () -> ()
    %dma_start3A_13 = arith.constant 0 : i32
    %dma_start3A_14 = arith.constant 0 : i32
    %dma_start3A_15 = tpu.memref_slice %arg8[%dma_start3A_13, %dma_start3A_14] : memref<250000x128xf32, #tpu.memory_space<hbm>> -> memref<250000x128xf32, #tpu.memory_space<hbm>>
    tpu.enqueue_indirect_dma source(%dma_start3A_15 : memref<250000x128xf32, #tpu.memory_space<hbm>>) target(%arg15 : memref<512x128xf32, #tpu.memory_space<vmem>>) offsets(%arg14 : memref<512xi32, #tpu.memory_space<vmem>>) semaphore(%arg16 : memref<!tpu.dma_semaphore, #tpu.memory_space<semaphore_mem>>)
    %dma_wait3A_16 = arith.constant 0 : i32
    %dma_wait3A_17 = arith.constant 0 : i32
    %dma_wait3A_18 = tpu.memref_slice %arg8[%dma_wait3A_16, %dma_wait3A_17] : memref<250000x128xf32, #tpu.memory_space<hbm>> -> memref<250000x128xf32, #tpu.memory_space<hbm>>
    tpu.wait_indirect_dma semaphore(%arg16 : memref<!tpu.dma_semaphore, #tpu.memory_space<semaphore_mem>>) src(%dma_wait3A_18 : memref<250000x128xf32, #tpu.memory_space<hbm>>) dst(%arg15 : memref<512x128xf32, #tpu.memory_space<vmem>>)
    "tpu.region"() ({
      %run_scoped3A = tpu.sem_alloc : memref<!tpu.dma_semaphore, #tpu.memory_space<semaphore_mem>>
      %dma_start3A_25 = arith.constant 0 : i32
      %dma_start3A_26 = tpu.memref_slice %arg12[%mul3A_2, %dma_start3A_25] : memref<16384x128xf32, #tpu.memory_space<hbm>> -> memref<512x128xf32, #tpu.memory_space<hbm>>
      %dma_start3A_27 = arith.constant 0 : i32
      %dma_start3A_28 = tpu.memref_slice %arg12[%mul3A_2, %dma_start3A_27] : memref<16384x128xf32, #tpu.memory_space<hbm>> -> memref<512x128xf32, #tpu.memory_space<hbm>>
      tpu.enqueue_dma source(%arg15 : memref<512x128xf32, #tpu.memory_space<vmem>>) target(%dma_start3A_28 : memref<512x128xf32, #tpu.memory_space<hbm>>) target_semaphore(%run_scoped3A : memref<!tpu.dma_semaphore, #tpu.memory_space<semaphore_mem>>)
      %dma_wait3A_29 = arith.constant 0 : i32
      %dma_wait3A_30 = tpu.memref_slice %arg12[%mul3A_2, %dma_wait3A_29] : memref<16384x128xf32, #tpu.memory_space<hbm>> -> memref<512x128xf32, #tpu.memory_space<hbm>>
      %dma_wait3A_31 = arith.constant 0 : i32
      %dma_wait3A_32 = tpu.memref_slice %arg12[%mul3A_2, %dma_wait3A_31] : memref<16384x128xf32, #tpu.memory_space<hbm>> -> memref<512x128xf32, #tpu.memory_space<hbm>>
      tpu.wait_dma2 semaphore(%run_scoped3A : memref<!tpu.dma_semaphore, #tpu.memory_space<semaphore_mem>>) src(%arg15 : memref<512x128xf32, #tpu.memory_space<vmem>>) dst(%dma_wait3A_32 : memref<512x128xf32, #tpu.memory_space<hbm>>)
      tpu.yield
    }) : () -> ()
    "tpu.region"() ({
      %run_scoped3A = tpu.sem_alloc : memref<!tpu.dma_semaphore, #tpu.memory_space<semaphore_mem>>
      %dma_start3A_25 = tpu.memref_slice %arg5[%mul3A_2] : memref<16384xi32, #tpu.memory_space<hbm>> -> memref<512xi32, #tpu.memory_space<hbm>>
      %dma_start3A_26 = tpu.memref_slice %arg5[%mul3A_2] : memref<16384xi32, #tpu.memory_space<hbm>> -> memref<512xi32, #tpu.memory_space<hbm>>
      tpu.enqueue_dma source(%dma_start3A_26 : memref<512xi32, #tpu.memory_space<hbm>>) target(%arg14 : memref<512xi32, #tpu.memory_space<vmem>>) target_semaphore(%run_scoped3A : memref<!tpu.dma_semaphore, #tpu.memory_space<semaphore_mem>>)
      %dma_wait3A_27 = tpu.memref_slice %arg5[%mul3A_2] : memref<16384xi32, #tpu.memory_space<hbm>> -> memref<512xi32, #tpu.memory_space<hbm>>
      %dma_wait3A_28 = tpu.memref_slice %arg5[%mul3A_2] : memref<16384xi32, #tpu.memory_space<hbm>> -> memref<512xi32, #tpu.memory_space<hbm>>
      tpu.wait_dma2 semaphore(%run_scoped3A : memref<!tpu.dma_semaphore, #tpu.memory_space<semaphore_mem>>) src(%dma_wait3A_28 : memref<512xi32, #tpu.memory_space<hbm>>) dst(%arg14 : memref<512xi32, #tpu.memory_space<vmem>>)
      tpu.yield
    }) : () -> ()
    %dma_start3A_19 = arith.constant 0 : i32
    %dma_start3A_20 = arith.constant 0 : i32
    %dma_start3A_21 = tpu.memref_slice %arg9[%dma_start3A_19, %dma_start3A_20] : memref<250000x128xf32, #tpu.memory_space<hbm>> -> memref<250000x128xf32, #tpu.memory_space<hbm>>
    tpu.enqueue_indirect_dma source(%dma_start3A_21 : memref<250000x128xf32, #tpu.memory_space<hbm>>) target(%arg15 : memref<512x128xf32, #tpu.memory_space<vmem>>) offsets(%arg14 : memref<512xi32, #tpu.memory_space<vmem>>) semaphore(%arg16 : memref<!tpu.dma_semaphore, #tpu.memory_space<semaphore_mem>>)
    %dma_wait3A_22 = arith.constant 0 : i32
    %dma_wait3A_23 = arith.constant 0 : i32
    %dma_wait3A_24 = tpu.memref_slice %arg9[%dma_wait3A_22, %dma_wait3A_23] : memref<250000x128xf32, #tpu.memory_space<hbm>> -> memref<250000x128xf32, #tpu.memory_space<hbm>>
    tpu.wait_indirect_dma semaphore(%arg16 : memref<!tpu.dma_semaphore, #tpu.memory_space<semaphore_mem>>) src(%dma_wait3A_24 : memref<250000x128xf32, #tpu.memory_space<hbm>>) dst(%arg15 : memref<512x128xf32, #tpu.memory_space<vmem>>)
    "tpu.region"() ({
      %run_scoped3A = tpu.sem_alloc : memref<!tpu.dma_semaphore, #tpu.memory_space<semaphore_mem>>
      %dma_start3A_25 = arith.constant 0 : i32
      %dma_start3A_26 = tpu.memref_slice %arg13[%mul3A_2, %dma_start3A_25] : memref<16384x128xf32, #tpu.memory_space<hbm>> -> memref<512x128xf32, #tpu.memory_space<hbm>>
      %dma_start3A_27 = arith.constant 0 : i32
      %dma_start3A_28 = tpu.memref_slice %arg13[%mul3A_2, %dma_start3A_27] : memref<16384x128xf32, #tpu.memory_space<hbm>> -> memref<512x128xf32, #tpu.memory_space<hbm>>
      tpu.enqueue_dma source(%arg15 : memref<512x128xf32, #tpu.memory_space<vmem>>) target(%dma_start3A_28 : memref<512x128xf32, #tpu.memory_space<hbm>>) target_semaphore(%run_scoped3A : memref<!tpu.dma_semaphore, #tpu.memory_space<semaphore_mem>>)
      %dma_wait3A_29 = arith.constant 0 : i32
      %dma_wait3A_30 = tpu.memref_slice %arg13[%mul3A_2, %dma_wait3A_29] : memref<16384x128xf32, #tpu.memory_space<hbm>> -> memref<512x128xf32, #tpu.memory_space<hbm>>
      %dma_wait3A_31 = arith.constant 0 : i32
      %dma_wait3A_32 = tpu.memref_slice %arg13[%mul3A_2, %dma_wait3A_31] : memref<16384x128xf32, #tpu.memory_space<hbm>> -> memref<512x128xf32, #tpu.memory_space<hbm>>
      tpu.wait_dma2 semaphore(%run_scoped3A : memref<!tpu.dma_semaphore, #tpu.memory_space<semaphore_mem>>) src(%arg15 : memref<512x128xf32, #tpu.memory_space<vmem>>) dst(%dma_wait3A_32 : memref<512x128xf32, #tpu.memory_space<hbm>>)
      tpu.yield
    }) : () -> ()
    return
  }
}

module attributes {stable_mosaic.version = 14 : i64} {
  func.func @_tc_mlp_body(%arg0: i32, %arg1: memref<2048x128xf32, #tpu.memory_space<vmem>>, %arg2: memref<2048x128xf32, #tpu.memory_space<vmem>>, %arg3: memref<2048x128xf32, #tpu.memory_space<vmem>>, %arg4: memref<2048x128xf32, #tpu.memory_space<vmem>>, %arg5: memref<2048x1xi32, #tpu.memory_space<vmem>>, %arg6: memref<2048x1xi32, #tpu.memory_space<vmem>>, %arg7: memref<2048x1xi32, #tpu.memory_space<vmem>>, %arg8: memref<2048x1xi32, #tpu.memory_space<vmem>>, %arg9: memref<32x32xf32, #tpu.memory_space<vmem>>, %arg10: memref<32x32xf32, #tpu.memory_space<vmem>>, %arg11: memref<1x32xf32, #tpu.memory_space<vmem>>, %arg12: memref<32x16xf32, #tpu.memory_space<vmem>>, %arg13: memref<1x16xf32, #tpu.memory_space<vmem>>, %arg14: memref<8x1xf32, #tpu.memory_space<vmem>>, %arg15: memref<16x1xf32, #tpu.memory_space<vmem>>, %arg16: memref<1x1xf32, #tpu.memory_space<vmem>>, %arg17: memref<2048x1xf32, #tpu.memory_space<vmem>>) attributes {dimension_semantics = [#tpu.dimension_semantics<arbitrary>], iteration_bounds = array<i64: 8>, scalar_prefetch = 0 : i64, scratch_operands = 0 : i64, tpu.core_type = #tpu.core_type<tc>, window_params = [{transform_indices = @transform_0, window_bounds = array<i64: 2048, 128>}, {transform_indices = @transform_1, window_bounds = array<i64: 2048, 128>}, {transform_indices = @transform_2, window_bounds = array<i64: 2048, 128>}, {transform_indices = @transform_3, window_bounds = array<i64: 2048, 128>}, {transform_indices = @transform_4, window_bounds = array<i64: 2048, 1>}, {transform_indices = @transform_5, window_bounds = array<i64: 2048, 1>}, {transform_indices = @transform_6, window_bounds = array<i64: 2048, 1>}, {transform_indices = @transform_7, window_bounds = array<i64: 2048, 1>}, {pipeline_mode = #tpu.pipeline_mode<synchronous>, transform_indices = @transform_8, window_bounds = array<i64: 32, 32>}, {pipeline_mode = #tpu.pipeline_mode<synchronous>, transform_indices = @transform_9, window_bounds = array<i64: 32, 32>}, {pipeline_mode = #tpu.pipeline_mode<synchronous>, transform_indices = @transform_10, window_bounds = array<i64: 1, 32>}, {pipeline_mode = #tpu.pipeline_mode<synchronous>, transform_indices = @transform_11, window_bounds = array<i64: 32, 16>}, {pipeline_mode = #tpu.pipeline_mode<synchronous>, transform_indices = @transform_12, window_bounds = array<i64: 1, 16>}, {pipeline_mode = #tpu.pipeline_mode<synchronous>, transform_indices = @transform_13, window_bounds = array<i64: 8, 1>}, {pipeline_mode = #tpu.pipeline_mode<synchronous>, transform_indices = @transform_14, window_bounds = array<i64: 16, 1>}, {pipeline_mode = #tpu.pipeline_mode<synchronous>, transform_indices = @transform_15, window_bounds = array<i64: 1, 1>}, {transform_indices = @transform_16, window_bounds = array<i64: 2048, 1>}]} {
    %get3A = arith.constant 0 : index
    %get3A_0 = arith.constant 0 : index
    %get3A_1 = vector.load %arg1[%get3A, %get3A_0] : memref<2048x128xf32, #tpu.memory_space<vmem>>, vector<2048x128xf32>
    %get3A_2 = arith.constant 0 : index
    %get3A_3 = arith.constant 0 : index
    %get3A_4 = vector.load %arg5[%get3A_2, %get3A_3] : memref<2048x1xi32, #tpu.memory_space<vmem>>, vector<2048x1xi32>
    %and3A = arith.constant 8 : i32
    %and3A_5 = vector.broadcast %and3A : i32 to vector<2048x1xi32>
    %and3A_6 = arith.andi %get3A_4, %and3A_5 : vector<2048x1xi32>
    %ne3A = arith.constant 0 : i32
    %ne3A_7 = vector.broadcast %ne3A : i32 to vector<2048x1xi32>
    %ne3A_8 = arith.cmpi ne, %and3A_6, %ne3A_7 : vector<2048x1xi32>
    %slice3A = vector.extract_strided_slice %get3A_1 {offsets = [0, 8], sizes = [2048, 120], strides = [1, 1]} : vector<2048x128xf32> to vector<2048x120xf32>
    %slice3A_9 = vector.extract_strided_slice %get3A_1 {offsets = [0, 0], sizes = [2048, 8], strides = [1, 1]} : vector<2048x128xf32> to vector<2048x8xf32>
    %concatenate3A = tpu.concatenate %slice3A, %slice3A_9 in 1 : vector<2048x120xf32>, vector<2048x8xf32> -> vector<2048x128xf32>
    %broadcast_in_dim3A = vector.shape_cast %ne3A_8 : vector<2048x1xi1> to vector<2048x1xi1>
    %broadcast_in_dim3A_10 = vector.broadcast %broadcast_in_dim3A : vector<2048x1xi1> to vector<2048x128xi1>
    %select_n3A = arith.select %broadcast_in_dim3A_10, %concatenate3A, %get3A_1 : vector<2048x128xi1>, vector<2048x128xf32>
    %and3A_11 = arith.constant 16 : i32
    %and3A_12 = vector.broadcast %and3A_11 : i32 to vector<2048x1xi32>
    %and3A_13 = arith.andi %get3A_4, %and3A_12 : vector<2048x1xi32>
    %ne3A_14 = arith.constant 0 : i32
    %ne3A_15 = vector.broadcast %ne3A_14 : i32 to vector<2048x1xi32>
    %ne3A_16 = arith.cmpi ne, %and3A_13, %ne3A_15 : vector<2048x1xi32>
    %slice3A_17 = vector.extract_strided_slice %select_n3A {offsets = [0, 16], sizes = [2048, 112], strides = [1, 1]} : vector<2048x128xf32> to vector<2048x112xf32>
    %slice3A_18 = vector.extract_strided_slice %select_n3A {offsets = [0, 0], sizes = [2048, 16], strides = [1, 1]} : vector<2048x128xf32> to vector<2048x16xf32>
    %concatenate3A_19 = tpu.concatenate %slice3A_17, %slice3A_18 in 1 : vector<2048x112xf32>, vector<2048x16xf32> -> vector<2048x128xf32>
    %broadcast_in_dim3A_20 = vector.shape_cast %ne3A_16 : vector<2048x1xi1> to vector<2048x1xi1>
    %broadcast_in_dim3A_21 = vector.broadcast %broadcast_in_dim3A_20 : vector<2048x1xi1> to vector<2048x128xi1>
    %select_n3A_22 = arith.select %broadcast_in_dim3A_21, %concatenate3A_19, %select_n3A : vector<2048x128xi1>, vector<2048x128xf32>
    %and3A_23 = arith.constant 32 : i32
    %and3A_24 = vector.broadcast %and3A_23 : i32 to vector<2048x1xi32>
    %and3A_25 = arith.andi %get3A_4, %and3A_24 : vector<2048x1xi32>
    %ne3A_26 = arith.constant 0 : i32
    %ne3A_27 = vector.broadcast %ne3A_26 : i32 to vector<2048x1xi32>
    %ne3A_28 = arith.cmpi ne, %and3A_25, %ne3A_27 : vector<2048x1xi32>
    %slice3A_29 = vector.extract_strided_slice %select_n3A_22 {offsets = [0, 32], sizes = [2048, 96], strides = [1, 1]} : vector<2048x128xf32> to vector<2048x96xf32>
    %slice3A_30 = vector.extract_strided_slice %select_n3A_22 {offsets = [0, 0], sizes = [2048, 32], strides = [1, 1]} : vector<2048x128xf32> to vector<2048x32xf32>
    %concatenate3A_31 = tpu.concatenate %slice3A_29, %slice3A_30 in 1 : vector<2048x96xf32>, vector<2048x32xf32> -> vector<2048x128xf32>
    %broadcast_in_dim3A_32 = vector.shape_cast %ne3A_28 : vector<2048x1xi1> to vector<2048x1xi1>
    %broadcast_in_dim3A_33 = vector.broadcast %broadcast_in_dim3A_32 : vector<2048x1xi1> to vector<2048x128xi1>
    %select_n3A_34 = arith.select %broadcast_in_dim3A_33, %concatenate3A_31, %select_n3A_22 : vector<2048x128xi1>, vector<2048x128xf32>
    %and3A_35 = arith.constant 64 : i32
    %and3A_36 = vector.broadcast %and3A_35 : i32 to vector<2048x1xi32>
    %and3A_37 = arith.andi %get3A_4, %and3A_36 : vector<2048x1xi32>
    %ne3A_38 = arith.constant 0 : i32
    %ne3A_39 = vector.broadcast %ne3A_38 : i32 to vector<2048x1xi32>
    %ne3A_40 = arith.cmpi ne, %and3A_37, %ne3A_39 : vector<2048x1xi32>
    %slice3A_41 = vector.extract_strided_slice %select_n3A_34 {offsets = [0, 64], sizes = [2048, 64], strides = [1, 1]} : vector<2048x128xf32> to vector<2048x64xf32>
    %slice3A_42 = vector.extract_strided_slice %select_n3A_34 {offsets = [0, 0], sizes = [2048, 64], strides = [1, 1]} : vector<2048x128xf32> to vector<2048x64xf32>
    %concatenate3A_43 = tpu.concatenate %slice3A_41, %slice3A_42 in 1 : vector<2048x64xf32>, vector<2048x64xf32> -> vector<2048x128xf32>
    %broadcast_in_dim3A_44 = vector.shape_cast %ne3A_40 : vector<2048x1xi1> to vector<2048x1xi1>
    %broadcast_in_dim3A_45 = vector.broadcast %broadcast_in_dim3A_44 : vector<2048x1xi1> to vector<2048x128xi1>
    %select_n3A_46 = arith.select %broadcast_in_dim3A_45, %concatenate3A_43, %select_n3A_34 : vector<2048x128xi1>, vector<2048x128xf32>
    %slice3A_47 = vector.extract_strided_slice %select_n3A_46 {offsets = [0, 0], sizes = [2048, 8], strides = [1, 1]} : vector<2048x128xf32> to vector<2048x8xf32>
    %get3A_48 = arith.constant 0 : index
    %get3A_49 = arith.constant 0 : index
    %get3A_50 = vector.load %arg2[%get3A_48, %get3A_49] : memref<2048x128xf32, #tpu.memory_space<vmem>>, vector<2048x128xf32>
    %get3A_51 = arith.constant 0 : index
    %get3A_52 = arith.constant 0 : index
    %get3A_53 = vector.load %arg6[%get3A_51, %get3A_52] : memref<2048x1xi32, #tpu.memory_space<vmem>>, vector<2048x1xi32>
    %and3A_54 = arith.constant 8 : i32
    %and3A_55 = vector.broadcast %and3A_54 : i32 to vector<2048x1xi32>
    %and3A_56 = arith.andi %get3A_53, %and3A_55 : vector<2048x1xi32>
    %ne3A_57 = arith.constant 0 : i32
    %ne3A_58 = vector.broadcast %ne3A_57 : i32 to vector<2048x1xi32>
    %ne3A_59 = arith.cmpi ne, %and3A_56, %ne3A_58 : vector<2048x1xi32>
    %slice3A_60 = vector.extract_strided_slice %get3A_50 {offsets = [0, 8], sizes = [2048, 120], strides = [1, 1]} : vector<2048x128xf32> to vector<2048x120xf32>
    %slice3A_61 = vector.extract_strided_slice %get3A_50 {offsets = [0, 0], sizes = [2048, 8], strides = [1, 1]} : vector<2048x128xf32> to vector<2048x8xf32>
    %concatenate3A_62 = tpu.concatenate %slice3A_60, %slice3A_61 in 1 : vector<2048x120xf32>, vector<2048x8xf32> -> vector<2048x128xf32>
    %broadcast_in_dim3A_63 = vector.shape_cast %ne3A_59 : vector<2048x1xi1> to vector<2048x1xi1>
    %broadcast_in_dim3A_64 = vector.broadcast %broadcast_in_dim3A_63 : vector<2048x1xi1> to vector<2048x128xi1>
    %select_n3A_65 = arith.select %broadcast_in_dim3A_64, %concatenate3A_62, %get3A_50 : vector<2048x128xi1>, vector<2048x128xf32>
    %and3A_66 = arith.constant 16 : i32
    %and3A_67 = vector.broadcast %and3A_66 : i32 to vector<2048x1xi32>
    %and3A_68 = arith.andi %get3A_53, %and3A_67 : vector<2048x1xi32>
    %ne3A_69 = arith.constant 0 : i32
    %ne3A_70 = vector.broadcast %ne3A_69 : i32 to vector<2048x1xi32>
    %ne3A_71 = arith.cmpi ne, %and3A_68, %ne3A_70 : vector<2048x1xi32>
    %slice3A_72 = vector.extract_strided_slice %select_n3A_65 {offsets = [0, 16], sizes = [2048, 112], strides = [1, 1]} : vector<2048x128xf32> to vector<2048x112xf32>
    %slice3A_73 = vector.extract_strided_slice %select_n3A_65 {offsets = [0, 0], sizes = [2048, 16], strides = [1, 1]} : vector<2048x128xf32> to vector<2048x16xf32>
    %concatenate3A_74 = tpu.concatenate %slice3A_72, %slice3A_73 in 1 : vector<2048x112xf32>, vector<2048x16xf32> -> vector<2048x128xf32>
    %broadcast_in_dim3A_75 = vector.shape_cast %ne3A_71 : vector<2048x1xi1> to vector<2048x1xi1>
    %broadcast_in_dim3A_76 = vector.broadcast %broadcast_in_dim3A_75 : vector<2048x1xi1> to vector<2048x128xi1>
    %select_n3A_77 = arith.select %broadcast_in_dim3A_76, %concatenate3A_74, %select_n3A_65 : vector<2048x128xi1>, vector<2048x128xf32>
    %and3A_78 = arith.constant 32 : i32
    %and3A_79 = vector.broadcast %and3A_78 : i32 to vector<2048x1xi32>
    %and3A_80 = arith.andi %get3A_53, %and3A_79 : vector<2048x1xi32>
    %ne3A_81 = arith.constant 0 : i32
    %ne3A_82 = vector.broadcast %ne3A_81 : i32 to vector<2048x1xi32>
    %ne3A_83 = arith.cmpi ne, %and3A_80, %ne3A_82 : vector<2048x1xi32>
    %slice3A_84 = vector.extract_strided_slice %select_n3A_77 {offsets = [0, 32], sizes = [2048, 96], strides = [1, 1]} : vector<2048x128xf32> to vector<2048x96xf32>
    %slice3A_85 = vector.extract_strided_slice %select_n3A_77 {offsets = [0, 0], sizes = [2048, 32], strides = [1, 1]} : vector<2048x128xf32> to vector<2048x32xf32>
    %concatenate3A_86 = tpu.concatenate %slice3A_84, %slice3A_85 in 1 : vector<2048x96xf32>, vector<2048x32xf32> -> vector<2048x128xf32>
    %broadcast_in_dim3A_87 = vector.shape_cast %ne3A_83 : vector<2048x1xi1> to vector<2048x1xi1>
    %broadcast_in_dim3A_88 = vector.broadcast %broadcast_in_dim3A_87 : vector<2048x1xi1> to vector<2048x128xi1>
    %select_n3A_89 = arith.select %broadcast_in_dim3A_88, %concatenate3A_86, %select_n3A_77 : vector<2048x128xi1>, vector<2048x128xf32>
    %and3A_90 = arith.constant 64 : i32
    %and3A_91 = vector.broadcast %and3A_90 : i32 to vector<2048x1xi32>
    %and3A_92 = arith.andi %get3A_53, %and3A_91 : vector<2048x1xi32>
    %ne3A_93 = arith.constant 0 : i32
    %ne3A_94 = vector.broadcast %ne3A_93 : i32 to vector<2048x1xi32>
    %ne3A_95 = arith.cmpi ne, %and3A_92, %ne3A_94 : vector<2048x1xi32>
    %slice3A_96 = vector.extract_strided_slice %select_n3A_89 {offsets = [0, 64], sizes = [2048, 64], strides = [1, 1]} : vector<2048x128xf32> to vector<2048x64xf32>
    %slice3A_97 = vector.extract_strided_slice %select_n3A_89 {offsets = [0, 0], sizes = [2048, 64], strides = [1, 1]} : vector<2048x128xf32> to vector<2048x64xf32>
    %concatenate3A_98 = tpu.concatenate %slice3A_96, %slice3A_97 in 1 : vector<2048x64xf32>, vector<2048x64xf32> -> vector<2048x128xf32>
    %broadcast_in_dim3A_99 = vector.shape_cast %ne3A_95 : vector<2048x1xi1> to vector<2048x1xi1>
    %broadcast_in_dim3A_100 = vector.broadcast %broadcast_in_dim3A_99 : vector<2048x1xi1> to vector<2048x128xi1>
    %select_n3A_101 = arith.select %broadcast_in_dim3A_100, %concatenate3A_98, %select_n3A_89 : vector<2048x128xi1>, vector<2048x128xf32>
    %slice3A_102 = vector.extract_strided_slice %select_n3A_101 {offsets = [0, 0], sizes = [2048, 8], strides = [1, 1]} : vector<2048x128xf32> to vector<2048x8xf32>
    %get3A_103 = arith.constant 0 : index
    %get3A_104 = arith.constant 0 : index
    %get3A_105 = vector.load %arg3[%get3A_103, %get3A_104] : memref<2048x128xf32, #tpu.memory_space<vmem>>, vector<2048x128xf32>
    %get3A_106 = arith.constant 0 : index
    %get3A_107 = arith.constant 0 : index
    %get3A_108 = vector.load %arg7[%get3A_106, %get3A_107] : memref<2048x1xi32, #tpu.memory_space<vmem>>, vector<2048x1xi32>
    %and3A_109 = arith.constant 32 : i32
    %and3A_110 = vector.broadcast %and3A_109 : i32 to vector<2048x1xi32>
    %and3A_111 = arith.andi %get3A_108, %and3A_110 : vector<2048x1xi32>
    %ne3A_112 = arith.constant 0 : i32
    %ne3A_113 = vector.broadcast %ne3A_112 : i32 to vector<2048x1xi32>
    %ne3A_114 = arith.cmpi ne, %and3A_111, %ne3A_113 : vector<2048x1xi32>
    %slice3A_115 = vector.extract_strided_slice %get3A_105 {offsets = [0, 32], sizes = [2048, 96], strides = [1, 1]} : vector<2048x128xf32> to vector<2048x96xf32>
    %slice3A_116 = vector.extract_strided_slice %get3A_105 {offsets = [0, 0], sizes = [2048, 32], strides = [1, 1]} : vector<2048x128xf32> to vector<2048x32xf32>
    %concatenate3A_117 = tpu.concatenate %slice3A_115, %slice3A_116 in 1 : vector<2048x96xf32>, vector<2048x32xf32> -> vector<2048x128xf32>
    %broadcast_in_dim3A_118 = vector.shape_cast %ne3A_114 : vector<2048x1xi1> to vector<2048x1xi1>
    %broadcast_in_dim3A_119 = vector.broadcast %broadcast_in_dim3A_118 : vector<2048x1xi1> to vector<2048x128xi1>
    %select_n3A_120 = arith.select %broadcast_in_dim3A_119, %concatenate3A_117, %get3A_105 : vector<2048x128xi1>, vector<2048x128xf32>
    %and3A_121 = arith.constant 64 : i32
    %and3A_122 = vector.broadcast %and3A_121 : i32 to vector<2048x1xi32>
    %and3A_123 = arith.andi %get3A_108, %and3A_122 : vector<2048x1xi32>
    %ne3A_124 = arith.constant 0 : i32
    %ne3A_125 = vector.broadcast %ne3A_124 : i32 to vector<2048x1xi32>
    %ne3A_126 = arith.cmpi ne, %and3A_123, %ne3A_125 : vector<2048x1xi32>
    %slice3A_127 = vector.extract_strided_slice %select_n3A_120 {offsets = [0, 64], sizes = [2048, 64], strides = [1, 1]} : vector<2048x128xf32> to vector<2048x64xf32>
    %slice3A_128 = vector.extract_strided_slice %select_n3A_120 {offsets = [0, 0], sizes = [2048, 64], strides = [1, 1]} : vector<2048x128xf32> to vector<2048x64xf32>
    %concatenate3A_129 = tpu.concatenate %slice3A_127, %slice3A_128 in 1 : vector<2048x64xf32>, vector<2048x64xf32> -> vector<2048x128xf32>
    %broadcast_in_dim3A_130 = vector.shape_cast %ne3A_126 : vector<2048x1xi1> to vector<2048x1xi1>
    %broadcast_in_dim3A_131 = vector.broadcast %broadcast_in_dim3A_130 : vector<2048x1xi1> to vector<2048x128xi1>
    %select_n3A_132 = arith.select %broadcast_in_dim3A_131, %concatenate3A_129, %select_n3A_120 : vector<2048x128xi1>, vector<2048x128xf32>
    %slice3A_133 = vector.extract_strided_slice %select_n3A_132 {offsets = [0, 0], sizes = [2048, 32], strides = [1, 1]} : vector<2048x128xf32> to vector<2048x32xf32>
    %get3A_134 = arith.constant 0 : index
    %get3A_135 = arith.constant 0 : index
    %get3A_136 = vector.load %arg4[%get3A_134, %get3A_135] : memref<2048x128xf32, #tpu.memory_space<vmem>>, vector<2048x128xf32>
    %get3A_137 = arith.constant 0 : index
    %get3A_138 = arith.constant 0 : index
    %get3A_139 = vector.load %arg8[%get3A_137, %get3A_138] : memref<2048x1xi32, #tpu.memory_space<vmem>>, vector<2048x1xi32>
    %and3A_140 = arith.constant 32 : i32
    %and3A_141 = vector.broadcast %and3A_140 : i32 to vector<2048x1xi32>
    %and3A_142 = arith.andi %get3A_139, %and3A_141 : vector<2048x1xi32>
    %ne3A_143 = arith.constant 0 : i32
    %ne3A_144 = vector.broadcast %ne3A_143 : i32 to vector<2048x1xi32>
    %ne3A_145 = arith.cmpi ne, %and3A_142, %ne3A_144 : vector<2048x1xi32>
    %slice3A_146 = vector.extract_strided_slice %get3A_136 {offsets = [0, 32], sizes = [2048, 96], strides = [1, 1]} : vector<2048x128xf32> to vector<2048x96xf32>
    %slice3A_147 = vector.extract_strided_slice %get3A_136 {offsets = [0, 0], sizes = [2048, 32], strides = [1, 1]} : vector<2048x128xf32> to vector<2048x32xf32>
    %concatenate3A_148 = tpu.concatenate %slice3A_146, %slice3A_147 in 1 : vector<2048x96xf32>, vector<2048x32xf32> -> vector<2048x128xf32>
    %broadcast_in_dim3A_149 = vector.shape_cast %ne3A_145 : vector<2048x1xi1> to vector<2048x1xi1>
    %broadcast_in_dim3A_150 = vector.broadcast %broadcast_in_dim3A_149 : vector<2048x1xi1> to vector<2048x128xi1>
    %select_n3A_151 = arith.select %broadcast_in_dim3A_150, %concatenate3A_148, %get3A_136 : vector<2048x128xi1>, vector<2048x128xf32>
    %and3A_152 = arith.constant 64 : i32
    %and3A_153 = vector.broadcast %and3A_152 : i32 to vector<2048x1xi32>
    %and3A_154 = arith.andi %get3A_139, %and3A_153 : vector<2048x1xi32>
    %ne3A_155 = arith.constant 0 : i32
    %ne3A_156 = vector.broadcast %ne3A_155 : i32 to vector<2048x1xi32>
    %ne3A_157 = arith.cmpi ne, %and3A_154, %ne3A_156 : vector<2048x1xi32>
    %slice3A_158 = vector.extract_strided_slice %select_n3A_151 {offsets = [0, 64], sizes = [2048, 64], strides = [1, 1]} : vector<2048x128xf32> to vector<2048x64xf32>
    %slice3A_159 = vector.extract_strided_slice %select_n3A_151 {offsets = [0, 0], sizes = [2048, 64], strides = [1, 1]} : vector<2048x128xf32> to vector<2048x64xf32>
    %concatenate3A_160 = tpu.concatenate %slice3A_158, %slice3A_159 in 1 : vector<2048x64xf32>, vector<2048x64xf32> -> vector<2048x128xf32>
    %broadcast_in_dim3A_161 = vector.shape_cast %ne3A_157 : vector<2048x1xi1> to vector<2048x1xi1>
    %broadcast_in_dim3A_162 = vector.broadcast %broadcast_in_dim3A_161 : vector<2048x1xi1> to vector<2048x128xi1>
    %select_n3A_163 = arith.select %broadcast_in_dim3A_162, %concatenate3A_160, %select_n3A_151 : vector<2048x128xi1>, vector<2048x128xf32>
    %slice3A_164 = vector.extract_strided_slice %select_n3A_163 {offsets = [0, 0], sizes = [2048, 32], strides = [1, 1]} : vector<2048x128xf32> to vector<2048x32xf32>
    %get3A_165 = arith.constant 0 : index
    %get3A_166 = arith.constant 0 : index
    %get3A_167 = vector.load %arg9[%get3A_165, %get3A_166] : memref<32x32xf32, #tpu.memory_space<vmem>>, vector<32x32xf32>
    %dot_general3A = arith.constant dense<0.000000e+00> : vector<2048x32xf32>
    %dot_general3A_168 = tpu.matmul %slice3A_133, %get3A_167, %dot_general3A {dimension_numbers = #tpu.dot_dimension_numbers<[1], [0], [0], [1], [0, 0, 1, 1], [], []>, transpose_lhs_hint = false} : vector<2048x32xf32>, vector<32x32xf32>, vector<2048x32xf32> -> vector<2048x32xf32>
    %get3A_169 = arith.constant 0 : index
    %get3A_170 = arith.constant 0 : index
    %get3A_171 = vector.load %arg10[%get3A_169, %get3A_170] : memref<32x32xf32, #tpu.memory_space<vmem>>, vector<32x32xf32>
    %dot_general3A_172 = arith.constant dense<0.000000e+00> : vector<2048x32xf32>
    %dot_general3A_173 = tpu.matmul %slice3A_164, %get3A_171, %dot_general3A_172 {dimension_numbers = #tpu.dot_dimension_numbers<[1], [0], [0], [1], [0, 0, 1, 1], [], []>, transpose_lhs_hint = false} : vector<2048x32xf32>, vector<32x32xf32>, vector<2048x32xf32> -> vector<2048x32xf32>
    %add3A = arith.addf %dot_general3A_168, %dot_general3A_173 : vector<2048x32xf32>
    %get3A_174 = arith.constant 0 : index
    %get3A_175 = arith.constant 0 : index
    %get3A_176 = vector.load %arg11[%get3A_174, %get3A_175] : memref<1x32xf32, #tpu.memory_space<vmem>>, vector<1x32xf32>
    %add3A_177 = vector.broadcast %get3A_176 : vector<1x32xf32> to vector<2048x32xf32>
    %add3A_178 = arith.addf %add3A, %add3A_177 : vector<2048x32xf32>
    %max3A = arith.constant 0.000000e+00 : f32
    %max3A_179 = vector.broadcast %max3A : f32 to vector<2048x32xf32>
    %max3A_180 = arith.maximumf %add3A_178, %max3A_179 : vector<2048x32xf32>
    %get3A_181 = arith.constant 0 : index
    %get3A_182 = arith.constant 0 : index
    %get3A_183 = vector.load %arg12[%get3A_181, %get3A_182] : memref<32x16xf32, #tpu.memory_space<vmem>>, vector<32x16xf32>
    %dot_general3A_184 = arith.constant dense<0.000000e+00> : vector<2048x16xf32>
    %dot_general3A_185 = tpu.matmul %max3A_180, %get3A_183, %dot_general3A_184 {dimension_numbers = #tpu.dot_dimension_numbers<[1], [0], [0], [1], [0, 0, 1, 1], [], []>, transpose_lhs_hint = false} : vector<2048x32xf32>, vector<32x16xf32>, vector<2048x16xf32> -> vector<2048x16xf32>
    %get3A_186 = arith.constant 0 : index
    %get3A_187 = arith.constant 0 : index
    %get3A_188 = vector.load %arg13[%get3A_186, %get3A_187] : memref<1x16xf32, #tpu.memory_space<vmem>>, vector<1x16xf32>
    %add3A_189 = vector.broadcast %get3A_188 : vector<1x16xf32> to vector<2048x16xf32>
    %add3A_190 = arith.addf %dot_general3A_185, %add3A_189 : vector<2048x16xf32>
    %max3A_191 = arith.constant 0.000000e+00 : f32
    %max3A_192 = vector.broadcast %max3A_191 : f32 to vector<2048x16xf32>
    %max3A_193 = arith.maximumf %add3A_190, %max3A_192 : vector<2048x16xf32>
    %mul3A = arith.mulf %slice3A_47, %slice3A_102 : vector<2048x8xf32>
    %get3A_194 = arith.constant 0 : index
    %get3A_195 = arith.constant 0 : index
    %get3A_196 = vector.load %arg14[%get3A_194, %get3A_195] : memref<8x1xf32, #tpu.memory_space<vmem>>, vector<8x1xf32>
    %dot_general3A_197 = arith.constant dense<0.000000e+00> : vector<2048x1xf32>
    %dot_general3A_198 = tpu.matmul %mul3A, %get3A_196, %dot_general3A_197 {dimension_numbers = #tpu.dot_dimension_numbers<[1], [0], [0], [1], [0, 0, 1, 1], [], []>, transpose_lhs_hint = false} : vector<2048x8xf32>, vector<8x1xf32>, vector<2048x1xf32> -> vector<2048x1xf32>
    %get3A_199 = arith.constant 0 : index
    %get3A_200 = arith.constant 0 : index
    %get3A_201 = vector.load %arg15[%get3A_199, %get3A_200] : memref<16x1xf32, #tpu.memory_space<vmem>>, vector<16x1xf32>
    %dot_general3A_202 = arith.constant dense<0.000000e+00> : vector<2048x1xf32>
    %dot_general3A_203 = tpu.matmul %max3A_193, %get3A_201, %dot_general3A_202 {dimension_numbers = #tpu.dot_dimension_numbers<[1], [0], [0], [1], [0, 0, 1, 1], [], []>, transpose_lhs_hint = false} : vector<2048x16xf32>, vector<16x1xf32>, vector<2048x1xf32> -> vector<2048x1xf32>
    %add3A_204 = arith.addf %dot_general3A_198, %dot_general3A_203 : vector<2048x1xf32>
    %get3A_205 = arith.constant 0 : index
    %get3A_206 = arith.constant 0 : index
    %get3A_207 = vector.load %arg16[%get3A_205, %get3A_206] : memref<1x1xf32, #tpu.memory_space<vmem>>, vector<1x1xf32>
    %add3A_208 = vector.broadcast %get3A_207 : vector<1x1xf32> to vector<2048x1xf32>
    %add3A_209 = arith.addf %add3A_204, %add3A_208 : vector<2048x1xf32>
    %swap3A = arith.constant 0 : index
    %swap3A_210 = arith.constant 0 : index
    %swap3A_211 = vector.load %arg17[%swap3A, %swap3A_210] : memref<2048x1xf32, #tpu.memory_space<vmem>>, vector<2048x1xf32>
    tpu.vector_store %arg17[%swap3A, %swap3A_210], %add3A_209 {strides = array<i32>} : memref<2048x1xf32, #tpu.memory_space<vmem>>, vector<2048x1xf32>,
    return
  }
  func.func @transform_0(%arg0: i32) -> (i32, i32) {
    %c0_i32 = arith.constant 0 : i32
    %c0_i32_0 = arith.constant 0 : i32
    return %arg0, %c0_i32 : i32, i32
  }
  func.func @transform_1(%arg0: i32) -> (i32, i32) {
    %c0_i32 = arith.constant 0 : i32
    %c0_i32_0 = arith.constant 0 : i32
    return %arg0, %c0_i32 : i32, i32
  }
  func.func @transform_2(%arg0: i32) -> (i32, i32) {
    %c0_i32 = arith.constant 0 : i32
    %c0_i32_0 = arith.constant 0 : i32
    return %arg0, %c0_i32 : i32, i32
  }
  func.func @transform_3(%arg0: i32) -> (i32, i32) {
    %c0_i32 = arith.constant 0 : i32
    %c0_i32_0 = arith.constant 0 : i32
    return %arg0, %c0_i32 : i32, i32
  }
  func.func @transform_4(%arg0: i32) -> (i32, i32) {
    %c0_i32 = arith.constant 0 : i32
    %c0_i32_0 = arith.constant 0 : i32
    return %arg0, %c0_i32 : i32, i32
  }
  func.func @transform_5(%arg0: i32) -> (i32, i32) {
    %c0_i32 = arith.constant 0 : i32
    %c0_i32_0 = arith.constant 0 : i32
    return %arg0, %c0_i32 : i32, i32
  }
  func.func @transform_6(%arg0: i32) -> (i32, i32) {
    %c0_i32 = arith.constant 0 : i32
    %c0_i32_0 = arith.constant 0 : i32
    return %arg0, %c0_i32 : i32, i32
  }
  func.func @transform_7(%arg0: i32) -> (i32, i32) {
    %c0_i32 = arith.constant 0 : i32
    %c0_i32_0 = arith.constant 0 : i32
    return %arg0, %c0_i32 : i32, i32
  }
  func.func @transform_8(%arg0: i32) -> (i32, i32) {
    %c0_i32 = arith.constant 0 : i32
    %c0_i32_0 = arith.constant 0 : i32
    %c0_i32_1 = arith.constant 0 : i32
    return %c0_i32, %c0_i32_0 : i32, i32
  }
  func.func @transform_9(%arg0: i32) -> (i32, i32) {
    %c0_i32 = arith.constant 0 : i32
    %c0_i32_0 = arith.constant 0 : i32
    %c0_i32_1 = arith.constant 0 : i32
    return %c0_i32, %c0_i32_0 : i32, i32
  }
  func.func @transform_10(%arg0: i32) -> (i32, i32) {
    %c0_i32 = arith.constant 0 : i32
    %c0_i32_0 = arith.constant 0 : i32
    %c0_i32_1 = arith.constant 0 : i32
    return %c0_i32, %c0_i32_0 : i32, i32
  }
  func.func @transform_11(%arg0: i32) -> (i32, i32) {
    %c0_i32 = arith.constant 0 : i32
    %c0_i32_0 = arith.constant 0 : i32
    %c0_i32_1 = arith.constant 0 : i32
    return %c0_i32, %c0_i32_0 : i32, i32
  }
  func.func @transform_12(%arg0: i32) -> (i32, i32) {
    %c0_i32 = arith.constant 0 : i32
    %c0_i32_0 = arith.constant 0 : i32
    %c0_i32_1 = arith.constant 0 : i32
    return %c0_i32, %c0_i32_0 : i32, i32
  }
  func.func @transform_13(%arg0: i32) -> (i32, i32) {
    %c0_i32 = arith.constant 0 : i32
    %c0_i32_0 = arith.constant 0 : i32
    %c0_i32_1 = arith.constant 0 : i32
    return %c0_i32, %c0_i32_0 : i32, i32
  }
  func.func @transform_14(%arg0: i32) -> (i32, i32) {
    %c0_i32 = arith.constant 0 : i32
    %c0_i32_0 = arith.constant 0 : i32
    %c0_i32_1 = arith.constant 0 : i32
    return %c0_i32, %c0_i32_0 : i32, i32
  }
  func.func @transform_15(%arg0: i32) -> (i32, i32) {
    %c0_i32 = arith.constant 0 : i32
    %c0_i32_0 = arith.constant 0 : i32
    %c0_i32_1 = arith.constant 0 : i32
    return %c0_i32, %c0_i32_0 : i32, i32
  }
  func.func @transform_16(%arg0: i32) -> (i32, i32) {
    %c0_i32 = arith.constant 0 : i32
    %c0_i32_0 = arith.constant 0 : i32
    return %arg0, %c0_i32 : i32, i32
  }
}

</mosaic_0001>

<sc_bundles>
// kernel: kernel.4.cloned.1.call-start
scs
__scs_entry_jumppad:
0x0: {  	(pc) =	sbr.rel $0x88, $3  }
0x1: {  	(tag) =	ssettag $0x0;
	lr =	simm.s32 $0x1  }
0x2: {  	[smem:$0x3F95] =	sst lr;
	_ =	strace $0xD0000000  }
0x3: {  	_ = 	snop  }
0x4: {  	_ = 	snop  }
0x5: {  	_ = 	snop  }
0x6: {  	_ = 	snop  }
0x7: {  	_ = 	snop  }
__scs_overlays_trampoline_lowered:
0x8: {  	[smem:$0x3FA4] =	sst s0  }
0x9: {  	[smem:$0x3FA5] =	sst s1  }
0xa: {  	[smem:$0x3FA6] =	sst s2  }
0xb: {  	[smem:$0x3FA7] =	sst s3  }
0xc: {  	[smem:$0x3FA8] =	sst s4  }
0xd: {  	[smem:$0x3FA9] =	sst s5  }
0xe: {  	[smem:$0x3FAA] =	sst s6  }
0xf: {  	[smem:$0x3FAB] =	sst s7  }
0x10: {  	[smem:$0x3FAC] =	sst s8  }
0x11: {  	[smem:$0x3FAD] =	sst s9;
	s0 =	simm.s32 @!p0 $0x0  }
0x12: {  	s1 =	sld [smem:$0x3F93];
	s0 =	simm.s32 @p0 $0x1  }
0x13: {  	[smem:$0x3FAE] =	sst s0;
	s0 =	simm.s32 @!p1 $0x0  }
0x14: {  	s2 =	sld [smem:$0x3F92];
	s0 =	simm.s32 @p1 $0x1  }
0x15: {  	[smem:$0x3FAF] =	sst s0;
	s0 =	simm.s32 @!p2 $0x0  }
0x16: {  	s3 =	sld [smem:$0x3FDB];
	s0 =	simm.s32 @p2 $0x1  }
0x17: {  	s4 =	simm.s32 $0x1BF5;
	[smem:$0x3FB1] =	sst s0  }
0x18: {  	s0 =	sld [smem:$0x3F94];
	_ =	swait.ge [sflag:s4], $0x0  }
0x19: {  	s7 =	sld [smem:$0x3F95]  }
0x1a: {  	s8 =	sadd.s32 $0xFFFFE003, lr  }
0x1b: {  	s9 =	sadd.s32 $0xFFFFFEF7, lr;
	s5 =	simm.s32 $0xFFFFFFFF;
	p2 =	slt.u32 s8, $0xFFFFF086  }
0x1c: {  	p1 =	slt.u32 s9, $0xF7A;
	s5 =	simm.s32 @!p2 $0x0  }
0x1d: {  	s5 =	simm.s32 @p1 $0x1;
	p0 =	seq.s32 s7, s2  }
0x1e: {  	s7 =	smul.u32 @!p0 $0xF7A, s2;
	p2 =	seq.s32 @!p0 s5, $0x0  }
0x1f: {  	s9 =	smul.u32 $0xF7A, s1;
	s8 =	simm.s32 @!p0 $0x1BF5;
	p2 =	por !p2, p0  }
0x20: {  	[sflag:s8] =	ssyncset.s32 @!p0 $0xFFFFF086;
	s6 =	sadd.s32 @!p0 s3, s7;
	s7 =	simm.s32 @!p0 $0x108  }
0x21: {  	s3 =	sadd.s32 s3, s9;
	s6 =	sadd.s32 @!p0 $0x88, s6;
	s7 =	simm.s32 @p2 $0x1082  }
0x22: {  	[simem:s7], [sflag:s8] =	dma.local @!p0 [hbm:s6], $0xF7A  }
0x23: {  	s9 =	sor.u32 $0xD0000000, s2;
	s6 =	simm.s32 $0x108;
	_ =	swait.ge @!p0 [sflag:s8], $0x0  }
0x24: {  	s3 =	sadd.s32 $0x88, s3;
	s6 =	simm.s32 @!p1 $0x1082;
	[sflag:s4] =	ssyncset.s32 $0xFFFFF086  }
0x25: {  	[simem:s6], [sflag:s4] =	dma.local [hbm:s3], $0xF7A  }
0x26: {  	[smem:$0x3F95] =	sst s1;
	(tag) =	ssettag s2;
	_ =	strace s9  }
0x27: {  	s1 =	sld [smem:$0x3FA5]  }
0x28: {  	s2 =	sld [smem:$0x3FA6]  }
0x29: {  	s4 =	sld [smem:$0x3FA8]  }
0x2a: {  	p0 =	seq.s32 s5, $0x0;
	s5 =	sld [smem:$0x3FA9]  }
0x2b: {  	s6 =	sld [smem:$0x3FAA]  }
0x2c: {  	s7 =	sld [smem:$0x3FAB]  }
0x2d: {  	s3 =	simm.s32 $0x108;
	s8 =	sld [smem:$0x3FAC]  }
0x2e: {  	s3 =	simm.s32 @!p0 $0x1082;
	s9 =	sld [smem:$0x3FAD]  }
0x2f: {  	lr =	sadd.s32 s0, s3;
	s0 =	sld [smem:$0x3FA4]  }
0x30: {  	s3 =	sld [smem:$0x3FA7]  }
0x31: {  	[smem:$0x3FB0] =	sst s10  }
0x32: {  	s10 =	sld [smem:$0x3FAE];
	_ =	sdelay $0x3  }
0x33: {  	p0 =	seq.s32 s10, $0x1;
	s10 =	sld [smem:$0x3FB0];
	_ =	sdelay $0x3  }
0x34: {  	[smem:$0x3FB0] =	sst s10  }
0x35: {  	s10 =	sld [smem:$0x3FAF];
	_ =	sdelay $0x3  }
0x36: {  	p1 =	seq.s32 s10, $0x1;
	s10 =	sld [smem:$0x3FB0];
	_ =	sdelay $0x3  }
0x37: {  	[smem:$0x3FB0] =	sst s10  }
0x38: {  	s10 =	sld [smem:$0x3FB1]  }
0x39: {  	_ = 	snop;
	(pc) =	sbr.ind lr, $3  }
0x3a: {  	_ = 	snop  }
0x3b: {  	_ = 	snop  }
0x3c: {  	p2 =	seq.s32 s10, $0x1;
	s10 =	sld [smem:$0x3FB0]  }
0x3d: {  	_ =	shalt  }
0x3e: {  	_ =	shalt  }
0x3f: {  	_ =	shalt  }
0x40: {  	_ =	shalt  }
0x41: {  	_ =	shalt  }
0x42: {  	_ =	shalt  }
0x43: {  	_ =	shalt  }
0x44: {  	_ =	shalt  }
0x45: {  	_ =	shalt  }
0x46: {  	_ =	shalt  }
0x47: {  	_ =	shalt  }
0x48: {  	_ =	shalt  }
0x49: {  	_ =	shalt  }
0x4a: {  	_ =	shalt  }
0x4b: {  	_ =	shalt  }
0x4c: {  	_ =	shalt  }
0x4d: {  	_ =	shalt  }
0x4e: {  	_ =	shalt  }
0x4f: {  	_ =	shalt  }
0x50: {  	_ =	shalt  }
0x51: {  	_ =	shalt  }
0x52: {  	_ =	shalt  }
0x53: {  	_ =	shalt  }
0x54: {  	_ =	shalt  }
0x55: {  	_ =	shalt  }
0x56: {  	_ =	shalt  }
0x57: {  	_ =	shalt  }
0x58: {  	_ =	shalt  }
0x59: {  	_ =	shalt  }
0x5a: {  	_ =	shalt  }
0x5b: {  	_ =	shalt  }
0x5c: {  	_ =	shalt  }
0x5d: {  	_ =	shalt  }
0x5e: {  	_ =	shalt  }
0x5f: {  	_ =	shalt  }
0x60: {  	_ =	shalt  }
0x61: {  	_ =	shalt  }
0x62: {  	_ =	shalt  }
0x63: {  	_ =	shalt  }
0x64: {  	_ =	shalt  }
0x65: {  	_ =	shalt  }
0x66: {  	_ =	shalt  }
0x67: {  	_ =	shalt  }
0x68: {  	_ =	shalt  }
0x69: {  	_ =	shalt  }
0x6a: {  	_ =	shalt  }
0x6b: {  	_ =	shalt  }
0x6c: {  	_ =	shalt  }
0x6d: {  	_ =	shalt  }
0x6e: {  	_ =	shalt  }
0x6f: {  	_ =	shalt  }
0x70: {  	_ =	shalt  }
0x71: {  	_ =	shalt  }
0x72: {  	_ =	shalt  }
0x73: {  	_ =	shalt  }
0x74: {  	_ =	shalt  }
0x75: {  	_ =	shalt  }
0x76: {  	_ =	shalt  }
0x77: {  	_ =	shalt  }
0x78: {  	_ =	shalt  }
0x79: {  	_ =	shalt  }
0x7a: {  	_ =	shalt  }
0x7b: {  	_ =	shalt  }
0x7c: {  	_ =	shalt  }
0x7d: {  	_ =	shalt  }
0x7e: {  	_ =	shalt  }
0x7f: {  	_ =	shalt  }
0x80: {  	_ =	shalt  }
0x81: {  	_ =	shalt  }
0x82: {  	_ =	shalt  }
0x83: {  	_ =	shalt  }
0x84: {  	_ =	shalt  }
0x85: {  	_ =	shalt  }
0x86: {  	_ =	shalt  }
0x87: {  	_ =	shalt  }
.Lfunc_end0:
.L_simem_size_0:
called_computation_lowered:
.L_overlay_start_0:
0x88: {  	s2 =	sld [smem:$0x3FD9]  }
0x89: {  	s3 =	sld [smem:$0x3FFE];
	_ =	sdelay $0x1  }
0x8a: {  	s1 =	srdreg.scid  }
0x8b: {  	s0 =	sand.u32 $0x1, s1  }
0x8c: {  	s16 =	sshll.u32 s0, $0xA;
	s2 =	sadd.s32 s3, s2  }
0x8d: {  	s2 =	sadd.s32 s2, s16  }
0x8e: {  	[smem:$0x3FBC] =	sst s2  }
0x8f: {  	_ = 	snop  }
0x90: {  	(tm) =	ssettm $0x1  }
0x91: {  	s17 =	sld [smem:$0x3FFB];
	_ =	sdelay $0x3  }
0x92: {  	_ =	strace s17  }
0x93: {  	s2 =	sld [smem:$0x3FFC];
	_ =	sdelay $0x3  }
0x94: {  	_ =	strace s2  }
0x95: {  	s2 =	sld [smem:$0x3FFD];
	_ =	sdelay $0x3  }
0x96: {  	_ =	strace s2  }
0x97: {  	_ =	strace $0x8FFFFFFF  }
0x98: {  	s18 =	sld [smem:$0x3FDB];
	_ =	sdelay $0x1  }
0x99: {  	s19 =	simm.s32 $_scs_section_size  }
0x9a: {  	s4 =	simm.s32 $_size__tile_overlayer_lowered;
	s5 =	simm.s32 $_tile_overlayer_lowered  }
0x9b: {  	s22 =	simm.s32 $0x1BFF;
	s21 =	sshll.u32 s5, $0x1;
	s2 =	sadd.s32 s19, s18  }
0x9c: {  	s6 =	simm.s32 $0x0;
	s20 =	sshll.u32 s4, $0x1;
	s4 =	sadd.s32 s21, s2  }
0x9d: {  	[timem:s6], [sflag:s22] =	dma.local [hbm:s4], s20  }
0x9e: {  	_ =	swait.ge [sflag:s22], s20  }
0x9f: {  	s3 =	ssub.s32 $0x0, s20;
	[sflag:s22] =	ssyncset.done $0x0  }
0xa0: {  	[sflag:s22] =	ssyncadd.s32 s3;
	_ =	sdelay $0x1  }
0xa1: {  	s23 =	simm.s32 $0x1B8B  }
0xa2: {  	_ =	swait.ge [sflag:s23], $0x1  }
0xa3: {  	[sflag:s23] =	ssyncset.done $0x0  }
0xa4: {  	s25 =	simm.s32 $0x1B8E;
	s24 =	sld [smem:$0x3FFE];
	[sflag:s23] =	ssyncadd.s32 $0xFFFFFFFF  }
0xa5: {  	s26 =	simm.s32 $execute0_lowered;
	[smem:$0x3FD2] =	sst s25  }
0xa6: {  	s4 =	sshll.u32 s26, $0x1;
	_ =	strace $0x80000046;
	[dreg:$0x1] =	wrdreg $0xFFFFFFFF  }
0xa7: {  	s28 =	simm.s32 $_size_execute0_lowered;
	s2 =	sadd.s32 s2, s4;
	[dreg:$0x0] =	wrdreg $0x0  }
0xa8: {  	s4 =	sshll.u32 s28, $0x1;
	[dreg:$0x2] =	wrdreg s2  }
0xa9: {  	[dreg:$0x3] =	wrdreg s4  }
0xaa: {  	[dreg:$0x4] =	wrdreg $0xC0  }
0xab: {  	_ =	task [dreg:s6], $0x5FFFF  }
0xac: {  	[dreg:$0x1] =	wrdreg $0xFFFFFFFF  }
0xad: {  	[dreg:$0x0] =	wrdreg $0x60  }
0xae: {  	[dreg:$0x2] =	wrdreg s24  }
0xaf: {  	[dreg:$0x3] =	wrdreg $0x9  }
0xb0: {  	_ =	task.clear_ibuf [dreg:s6], $0x4FFFF;
	_ =	strace $0x90000046  }
0xb1: {  	s29 =	simm.s32 $0x9;
	_ =	strace $0x80000048  }
0xb2: {  	_ =	swait.ge [sflag:s29], $0x1  }
0xb3: {  	[sflag:s29] =	ssyncadd.s32 $0xFFFFFFFF  }
0xb4: {  	_ =	strace $0x90000048  }
0xb5: {  	_ =	sfence  }
0xb6: {  	s30 =	sld [smem:$0x0];
	_ =	sdelay $0x2  }
0xb7: {  	s31 =	sshll.u32 s1, $0xD;
	s1 =	sshrl.u32 s1, $0x2  }
0xb8: {  	s3 =	sand.u32 $0x4000, s31;
	s1 =	sadd.s32 s1, s30  }
0xb9: {  	s0 =	sor.u32 s3, s0;
	s1 =	sshll.u32 s1, $0x11  }
0xba: {  	s0 =	sor.u32 s1, s0  }
0xbb: {  	s0 =	sadd.s32 $0x8F2B, s0  }
0xbc: {  	[sflag:s0] =	ssyncadd.remote.s32 $0x1  }
0xbd: {  	_ =	sfence.sel $0xFFFF  }
0xbe: {  	[dreg:$0x0] =	wrdreg $0xFFFFFFFF;
	(pc) =	sbr.abs _section_cstart, $3  }
0xbf: {  	[dreg:$0x1] =	wrdreg $0xFFFFFFFF  }
0xc0: {  	_ =	task.clear_ibuf [dreg:s6], $0x2FFFF;
	_ =	strace $0x9FFFFFFF  }
0xc1: {  	(tm) =	ssettm $0x7FFFFFFF  }
tec
execute0_lowered:
.L_overlay_start_1:
0x0: {  	(tag) =	ssettag $0x1  }
0x1: {  	s1 =	srdreg.scid  }
0x2: {  	s0 =	stileid.u32;
	s17 =	sand.u32 $0x1, s1  }
0x3: {  	s30 =	sshll.u32 s0, $0xA;
	s2 =	sshll.u32 s17, $0x9  }
0x4: {  	s16 =	rddreg [dreg:$0x0];
	s8 =	sor.u32 s2, s30  }
0x5: {  	s1 =	rddreg [dreg:$0x1];
	s2 =	simm.s32 $0x0;
	s3 =	sshrl.u32 s8, $0x3  }
0x6: {  	[smem:$0x7FF] =	sst s2;
	s15 =	sadd.s32 s3, s16  }
0x7: {  	_ =	strace $0x80000047;
	s3 =	simm.s32 $0x2;
	s4 =	sadd.s32 $0x4C00, s15  }
0x8: {  	[tilespmem:s2], [sflag:$0x2] =	stream.linear.gather [hbm4b:s4+s2], $0x200, $0x38;
	[tilespmem:$0x10200] =	vst v63  }
0x9: {  	_ =	swait.ge [sflag:s3], $0x200  }
0xa: {  	s6 =	simm.s32 $0x200;
	[sflag:s3] =	ssyncset.done $0x0  }
0xb: {  	s7 =	simm.s32 $0x1;
	s5 =	sadd.s32 $0x16E5C00, s16;
	[sflag:s3] =	ssyncadd.s32 $0xFFFFFE00  }
0xc: {  	[tilespmem:s6], [sflag:$0x1] =	stream.indirect.gather [hbm4b:s5+s6], $0x80, s2, s6, $0xb8;
	[tilespmem:$0x10200] =	vst v63  }
0xd: {  	s8 =	sshll.u32 s8, $0x4;
	_ =	swait.ge [sflag:s7], $0x10000  }
0xe: {  	s18 =	sadd.s32 s8, s16;
	[sflag:s7] =	ssyncset.done $0x0  }
0xf: {  	s8 =	sadd.s32 $0x5C00, s18;
	[sflag:s7] =	ssyncadd.s32 $0xFFFF0000  }
0x10: {  	[hbm4b:s8+s2] =	stream.linear.scatter [tilespmem:s6], [sflag:$0x2], $0x10000, $0x38;
	[tilespmem:$0x10200] =	vst v63  }
0x11: {  	_ =	swait.ge [sflag:s3], $0x10000  }
0x12: {  	[sflag:s3] =	ssyncset.done $0x0  }
0x13: {  	s9 =	sadd.s32 $0x4400, s15;
	[sflag:s3] =	ssyncadd.s32 $0xFFFF0000  }
0x14: {  	[tilespmem:s2], [sflag:$0x2] =	stream.linear.gather [hbm4b:s9+s2], $0x200, $0x38;
	[tilespmem:$0x10200] =	vst v63  }
0x15: {  	_ =	swait.ge [sflag:s3], $0x200  }
0x16: {  	[sflag:s3] =	ssyncset.done $0x0  }
0x17: {  	s10 =	sadd.s32 $0x17DA000, s16;
	[sflag:s3] =	ssyncadd.s32 $0xFFFFFE00  }
0x18: {  	[tilespmem:s6], [sflag:$0x1] =	stream.indirect.gather [hbm4b:s10+s6], $0x80, s2, s6, $0xb8;
	[tilespmem:$0x10200] =	vst v63  }
0x19: {  	_ =	swait.ge [sflag:s7], $0x10000  }
0x1a: {  	[sflag:s7] =	ssyncset.done $0x0  }
0x1b: {  	s11 =	sadd.s32 $0x45C00, s18;
	[sflag:s7] =	ssyncadd.s32 $0xFFFF0000  }
0x1c: {  	[hbm4b:s11+s2] =	stream.linear.scatter [tilespmem:s6], [sflag:$0x2], $0x10000, $0x38;
	[tilespmem:$0x10200] =	vst v63  }
0x1d: {  	_ =	swait.ge [sflag:s3], $0x10000  }
0x1e: {  	[sflag:s3] =	ssyncset.done $0x0  }
0x1f: {  	s12 =	sadd.s32 $0x5400, s15;
	[sflag:s3] =	ssyncadd.s32 $0xFFFF0000  }
0x20: {  	[tilespmem:s2], [sflag:$0x2] =	stream.linear.gather [hbm4b:s12+s2], $0x200, $0x38;
	[tilespmem:$0x10200] =	vst v63  }
0x21: {  	_ =	swait.ge [sflag:s3], $0x200  }
0x22: {  	[sflag:s3] =	ssyncset.done $0x0  }
0x23: {  	s13 =	sadd.s32 $0xF44800, s16;
	[sflag:s3] =	ssyncadd.s32 $0xFFFFFE00  }
0x24: {  	[tilespmem:s6], [sflag:$0x1] =	stream.indirect.gather [hbm4b:s13+s6], $0x80, s2, s6, $0xb8;
	[tilespmem:$0x10200] =	vst v63  }
0x25: {  	_ =	swait.ge [sflag:s7], $0x10000  }
0x26: {  	[sflag:s7] =	ssyncset.done $0x0  }
0x27: {  	s14 =	sadd.s32 $0x85C00, s18;
	[sflag:s7] =	ssyncadd.s32 $0xFFFF0000  }
0x28: {  	[hbm4b:s14+s2] =	stream.linear.scatter [tilespmem:s6], [sflag:$0x2], $0x10000, $0x38;
	[tilespmem:$0x10200] =	vst v63  }
0x29: {  	_ =	swait.ge [sflag:s3], $0x10000  }
0x2a: {  	[sflag:s3] =	ssyncset.done $0x0  }
0x2b: {  	s17 =	ssub.s32 $0x2, s17;
	s15 =	sadd.s32 $0x3C00, s15;
	[sflag:s3] =	ssyncadd.s32 $0xFFFF0000  }
0x2c: {  	[tilespmem:s2], [sflag:$0x2] =	stream.linear.gather [hbm4b:s15+s2], $0x200, $0x38;
	[tilespmem:$0x10200] =	vst v63  }
0x2d: {  	s19 =	sshrl.u32 s17, $0x1;
	_ =	swait.ge [sflag:s3], $0x200  }
0x2e: {  	s19 =	ssub.s32 s17, s19;
	[sflag:s3] =	ssyncset.done $0x0  }
0x2f: {  	s16 =	sadd.s32 $0x1315200, s16;
	s31 =	smax.u32 s19, $0x1;
	[sflag:s3] =	ssyncadd.s32 $0xFFFFFE00  }
0x30: {  	[tilespmem:s6], [sflag:$0x1] =	stream.indirect.gather [hbm4b:s16+s6], $0x80, s2, s6, $0xb8;
	[tilespmem:$0x10200] =	vst v63  }
0x31: {  	p0 =	sne.s32 s31, $0x1;
	_ =	swait.ge [sflag:s7], $0x10000  }
.Ltmp0:
0x32: {  	[sflag:s7] =	ssyncset.done $0x0;
	(pc) =	sbr.rel @!p0 .LBB2_2-.Ltmp0, $4  }
0x33: {  	s17 =	sadd.s32 $0xC5C00, s18;
	[sflag:s7] =	ssyncadd.s32 $0xFFFF0000  }
0x34: {  	[hbm4b:s17+s2] =	stream.linear.scatter [tilespmem:s6], [sflag:$0x2], $0x10000, $0x38;
	[tilespmem:$0x10200] =	vst v63  }
0x35: {  	_ =	swait.ge [sflag:s3], $0x10000  }
0x36: {  	s18 =	sadd.s32 $0xFFFFFFFF, s31;
	[sflag:s3] =	ssyncset.done $0x0  }
.LBB2_1:
0x37: {  	p0 =	sne.s32 s18, $0x1;
	s18 =	sadd.s32 $0xFFFFFFFF, s18;
	[sflag:s3] =	ssyncadd.s32 $0xFFFF0000  }
0x38: {  	[tilespmem:s2], [sflag:$0x2] =	stream.linear.gather [hbm4b:s4+s2], $0x200, $0x38;
	[tilespmem:$0x10200] =	vst v63  }
0x39: {  	_ =	swait.ge [sflag:s3], $0x200  }
0x3a: {  	[sflag:s3] =	ssyncset.done $0x0  }
0x3b: {  	[sflag:s3] =	ssyncadd.s32 $0xFFFFFE00  }
0x3c: {  	[tilespmem:s6], [sflag:$0x1] =	stream.indirect.gather [hbm4b:s5+s6], $0x80, s2, s6, $0xb8;
	[tilespmem:$0x10200] =	vst v63  }
0x3d: {  	_ =	swait.ge [sflag:s7], $0x10000  }
0x3e: {  	[sflag:s7] =	ssyncset.done $0x0  }
0x3f: {  	[sflag:s7] =	ssyncadd.s32 $0xFFFF0000  }
0x40: {  	[hbm4b:s8+s2] =	stream.linear.scatter [tilespmem:s6], [sflag:$0x2], $0x10000, $0x38;
	[tilespmem:$0x10200] =	vst v63  }
0x41: {  	_ =	swait.ge [sflag:s3], $0x10000  }
0x42: {  	[sflag:s3] =	ssyncset.done $0x0  }
0x43: {  	[sflag:s3] =	ssyncadd.s32 $0xFFFF0000  }
0x44: {  	[tilespmem:s2], [sflag:$0x2] =	stream.linear.gather [hbm4b:s9+s2], $0x200, $0x38;
	[tilespmem:$0x10200] =	vst v63  }
0x45: {  	_ =	swait.ge [sflag:s3], $0x200  }
0x46: {  	[sflag:s3] =	ssyncset.done $0x0  }
0x47: {  	[sflag:s3] =	ssyncadd.s32 $0xFFFFFE00  }
0x48: {  	[tilespmem:s6], [sflag:$0x1] =	stream.indirect.gather [hbm4b:s10+s6], $0x80, s2, s6, $0xb8;
	[tilespmem:$0x10200] =	vst v63  }
0x49: {  	_ =	swait.ge [sflag:s7], $0x10000  }
0x4a: {  	[sflag:s7] =	ssyncset.done $0x0  }
0x4b: {  	[sflag:s7] =	ssyncadd.s32 $0xFFFF0000  }
0x4c: {  	[hbm4b:s11+s2] =	stream.linear.scatter [tilespmem:s6], [sflag:$0x2], $0x10000, $0x38;
	[tilespmem:$0x10200] =	vst v63  }
0x4d: {  	_ =	swait.ge [sflag:s3], $0x10000  }
0x4e: {  	[sflag:s3] =	ssyncset.done $0x0  }
0x4f: {  	[sflag:s3] =	ssyncadd.s32 $0xFFFF0000  }
0x50: {  	[tilespmem:s2], [sflag:$0x2] =	stream.linear.gather [hbm4b:s12+s2], $0x200, $0x38;
	[tilespmem:$0x10200] =	vst v63  }
0x51: {  	_ =	swait.ge [sflag:s3], $0x200  }
0x52: {  	[sflag:s3] =	ssyncset.done $0x0  }
0x53: {  	[sflag:s3] =	ssyncadd.s32 $0xFFFFFE00  }
0x54: {  	[tilespmem:s6], [sflag:$0x1] =	stream.indirect.gather [hbm4b:s13+s6], $0x80, s2, s6, $0xb8;
	[tilespmem:$0x10200] =	vst v63  }
0x55: {  	_ =	swait.ge [sflag:s7], $0x10000  }
0x56: {  	[sflag:s7] =	ssyncset.done $0x0  }
0x57: {  	[sflag:s7] =	ssyncadd.s32 $0xFFFF0000  }
0x58: {  	[hbm4b:s14+s2] =	stream.linear.scatter [tilespmem:s6], [sflag:$0x2], $0x10000, $0x38;
	[tilespmem:$0x10200] =	vst v63  }
0x59: {  	_ =	swait.ge [sflag:s3], $0x10000  }
0x5a: {  	[sflag:s3] =	ssyncset.done $0x0  }
0x5b: {  	[sflag:s3] =	ssyncadd.s32 $0xFFFF0000  }
0x5c: {  	[tilespmem:s2], [sflag:$0x2] =	stream.linear.gather [hbm4b:s15+s2], $0x200, $0x38;
	[tilespmem:$0x10200] =	vst v63  }
0x5d: {  	_ =	swait.ge [sflag:s3], $0x200  }
0x5e: {  	[sflag:s3] =	ssyncset.done $0x0  }
0x5f: {  	[sflag:s3] =	ssyncadd.s32 $0xFFFFFE00  }
0x60: {  	[tilespmem:s6], [sflag:$0x1] =	stream.indirect.gather [hbm4b:s16+s6], $0x80, s2, s6, $0xb8;
	[tilespmem:$0x10200] =	vst v63  }
0x61: {  	_ =	swait.ge [sflag:s7], $0x10000  }
.Ltmp1:
0x62: {  	[sflag:s7] =	ssyncset.done $0x0;
	(pc) =	sbr.rel @p0 .LBB2_1-.Ltmp1, $4  }
0x63: {  	[sflag:s7] =	ssyncadd.s32 $0xFFFF0000  }
0x64: {  	[hbm4b:s17+s2] =	stream.linear.scatter [tilespmem:s6], [sflag:$0x2], $0x10000, $0x38;
	[tilespmem:$0x10200] =	vst v63  }
0x65: {  	_ =	swait.ge [sflag:s3], $0x10000  }
0x66: {  	[sflag:s3] =	ssyncset.done $0x0  }
.LBB2_2:
0x67: {  	[sflag:s3] =	ssyncadd.s32 $0xFFFF0000  }
0x68: {  	_ =	sfence.sel $0x180000  }
0x69: {  	[bflag:$0x0] =	sbarrier.arrive $0xFFFF  }
0x6a: {  	p0 =	sne.s32 s0, $0x0;
	_ =	strace $0x90000047  }
0x6b: {  	s0 =	sadd.s32 @!p0 $0x100000, s1;
	[bflag:$0x2] =	sbarrier.arrive $0xFFFF  }
0x6c: {  	[sflag:s0] =	ssyncadd.tile.s32 @!p0 $0x1;
	_ =	shalt  }
.Lfunc_end2:
_tile_overlayer_lowered:
.L_overlay_start_2:
0x6d: {  	(tag) =	ssettag $0x2  }
0x6e: {  	s0 =	rddreg [dreg:$0x0];
	s2 =	stileid.u32  }
0x6f: {  	s1 =	rddreg [dreg:$0x1];
	p0 =	sne.s32 s2, $0x0  }
0x70: {  	s3 =	rddreg [dreg:$0x2];
	[bflag:$0x3] =	sbarrier.arrive $0xFFFF;
	s2 =	simm.s32 @!p0 $0x1C02  }
0x71: {  	[timem:s3], [sflag:s2] =	dma.local @!p0 [hbm:s0], s1  }
0x72: {  	s0 =	simm.s32 @!p0 $0x2  }
0x73: {  	_ =	swait.ge @!p0 [sflag:s0], s1  }
0x74: {  	s1 =	ssub.s32 @!p0 $0x0, s1;
	[sflag:s0] =	ssyncset.done @!p0 $0x0  }
0x75: {  	[sflag:s0] =	ssyncadd.s32 @!p0 s1  }
0x76: {  	[bflag:$0x3] =	sbarrier.arrive $0xFFFF  }
0x77: {  	_ =	shalt  }

</sc_bundles>
